<compile_context>
chip_gen: v7x
topology: tpu7x:2x2x1
jax: 0.10.2.dev20260603
libtpu: 0.0.44.dev20260713+nightly
codegen_flags: <defaults>
</compile_context>

<pallas_src>
import jax
import jax.numpy as jnp
from jax import lax
from jax.experimental import pallas as pl
from jax.experimental.pallas import tpu as pltpu

_STD = (((1,), (0,)), ((), ()))
_C01 = (((0,), (1,)), ((), ()))
_BB = 2


def _dot(a, b):
    return lax.dot_general(a, b, _STD, preferred_element_type=jnp.float32)


def _body(adj_ref, x_ref, ws1_ref, wn1_ref, b1_ref, ws2_ref, wn2_ref, b2_ref,
          y0_ref, at_s, adjt_s, ub0_s, ub1_s, ub2_s, bias_s):
    ldim = ws1_ref.shape[1]
    cl = x_ref.shape[2]
    cdim = cl // ldim
    bb = x_ref.shape[0]

    @pl.when(pl.program_id(0) == 0)
    def _init():
        adj = adj_ref[...]
        mask = (adj != 0.0).astype(jnp.float32)
        deg_row = jnp.sum(mask, axis=0, keepdims=True)
        inv_row = jnp.where(deg_row > 0.0, 1.0 / jnp.clip(deg_row, 1.0, None), 0.0)
        at_s[...] = jnp.transpose(mask * inv_row).astype(jnp.bfloat16)
        adjt_s[...] = jnp.transpose(adj * (1.0 / 3.5)).astype(jnp.bfloat16)
        ws1 = ws1_ref[...]
        wn1 = wn1_ref[...]
        ws2 = ws2_ref[...]
        wn2 = wn2_ref[...]
        u0 = lax.dot_general(ws1, ws2, _C01)
        u1 = lax.dot_general(wn1, ws2, _C01) + lax.dot_general(ws1, wn2, _C01)
        u2 = lax.dot_general(wn1, wn2, _C01)
        rblk = lax.broadcasted_iota(jnp.int32, (cl, cl), 0) // ldim
        cblk = lax.broadcasted_iota(jnp.int32, (cl, cl), 1) // ldim
        dmask = (rblk == cblk).astype(jnp.float32)
        ub0_s[...] = (jnp.tile(u0 * 3.5, (cdim, cdim)) * dmask).astype(jnp.bfloat16)
        ub1_s[...] = (jnp.tile(u1 * 3.5, (cdim, cdim)) * dmask).astype(jnp.bfloat16)
        ub2_s[...] = (jnp.tile(u2 * 3.5, (cdim, cdim)) * dmask).astype(jnp.bfloat16)
        b1v = b1_ref[...]
        b2v = b2_ref[...]
        c1 = lax.dot_general(b1v, ws2, (((1,), (1,)), ((), ()))) + b2v
        c2 = lax.dot_general(b1v, wn2, (((1,), (1,)), ((), ())))
        e_row = jnp.where(deg_row > 0.0, 1.0, 0.0)
        ecol = jnp.transpose(e_row)
        bias_s[...] = jnp.tile(3.5 * (c1 + ecol * c2), (1, cdim))

    at = at_s[...]
    for j in range(bb):
        f = x_ref[j]
        s1 = _dot(at, f)
        s1b = s1.astype(jnp.bfloat16)
        s2b = _dot(at, s1b).astype(jnp.bfloat16)
        h = (_dot(f, ub0_s[...])
             + _dot(s1b, ub1_s[...])
             + _dot(s2b, ub2_s[...])
             + bias_s[...])
        hb = h.astype(jnp.bfloat16)
        y0_ref[0, j] = hb
        y0_ref[1, j] = _dot(adjt_s[...], hb).astype(jnp.bfloat16)


def kernel(x, adj, W_self1, W_neigh1, b1, W_self2, W_neigh2, b2):
    B, C, N, L = x.shape
    xb = x.astype(jnp.bfloat16)
    xt = jnp.transpose(xb, (0, 2, 1, 3)).reshape(B, N, C * L)
    b1r = b1.reshape(1, L)
    b2r = b2.reshape(1, L)

    full = lambda shape: pl.BlockSpec(shape, lambda i: (0,) * len(shape))
    y = pl.pallas_call(
        _body,
        grid=(B // _BB,),
        in_specs=[
            full((N, N)),
            pl.BlockSpec((_BB, N, C * L), lambda i: (i, 0, 0)),
            full((L, L)), full((L, L)), full((1, L)),
            full((L, L)), full((L, L)), full((1, L)),
        ],
        out_specs=[
            pl.BlockSpec((2, _BB, N, C * L), lambda i: (0, i, 0, 0)),
        ],
        out_shape=[
            jax.ShapeDtypeStruct((2, B, N, C * L), jnp.bfloat16),
        ],
        scratch_shapes=[
            pltpu.VMEM((N, N), jnp.bfloat16),
            pltpu.VMEM((N, N), jnp.bfloat16),
            pltpu.VMEM((C * L, C * L), jnp.bfloat16),
            pltpu.VMEM((C * L, C * L), jnp.bfloat16),
            pltpu.VMEM((C * L, C * L), jnp.bfloat16),
            pltpu.VMEM((N, C * L), jnp.float32),
        ],
    )(adj, xt, W_self1, W_neigh1, b1r, W_self2, W_neigh2, b2r)[0]

    yv = y.reshape(2, B, N, C, L)
    out = jnp.transpose(yv, (1, 3, 0, 2, 4))
    return out.reshape(B, 2 * C, N, L).astype(jnp.float32)

# --- scband reference (transcript-rebuilt; emitter-appended) ---
"""Pipeline reference for scband-graph-sage-31138512896154 (READ-ONLY COPY).

The authoritative reference and input builder live on the scoring server;
editing this copy changes nothing except your own understanding.
"""

import jax, jax.numpy as jnp
import numpy as np

N_SAMPLE, FEAT_IN, N_NODE, LENGTH = 64, 24, 512, 24


def setup_inputs(seed: int = 0) -> dict:
    key = jax.random.key(seed)
    ks = jax.random.split(key, 10)
    x = jax.random.normal(ks[0], (N_SAMPLE, FEAT_IN, N_NODE, LENGTH), dtype=jnp.float32)
    adj = jax.random.uniform(ks[1], (N_NODE, N_NODE), dtype=jnp.float32)
    W_self1 = jax.random.normal(ks[2], (24, 24), dtype=jnp.float32) * 0.1
    W_neigh1 = jax.random.normal(ks[3], (24, 24), dtype=jnp.float32) * 0.1
    b1 = jax.random.normal(ks[4], (24,), dtype=jnp.float32) * 0.1
    W_self2 = jax.random.normal(ks[5], (24, 24), dtype=jnp.float32) * 0.1
    W_neigh2 = jax.random.normal(ks[6], (24, 24), dtype=jnp.float32) * 0.1
    b2 = jax.random.normal(ks[7], (24,), dtype=jnp.float32) * 0.1
    return {"x": x, "adj": adj, "W_self1": W_self1, "W_neigh1": W_neigh1, "b1": b1,
            "W_self2": W_self2, "W_neigh2": W_neigh2, "b2": b2}


def _sage_conv(feat, mask_T, inv_deg, W_self, W_neigh, b):
    # feat: [N, C, B, L]; DGL SAGEConv 'mean': out = fc_self(h) + fc_neigh(mean_neigh(h)) + bias
    N = feat.shape[0]
    flat = feat.reshape(N, -1)
    neigh = (mask_T @ flat) * inv_deg[:, None]
    neigh = neigh.reshape(feat.shape)
    return feat @ W_self.T + neigh @ W_neigh.T + b


def reference(x, adj, W_self1, W_neigh1, b1, W_self2, W_neigh2, b2):
    B, C, N, L = x.shape
    # graph built from nonzero entries of adj: edge src=i -> dst=j for adj[i, j] != 0
    mask = (adj != 0).astype(x.dtype)          # [N, N]
    mask_T = mask.T                              # dst-major for aggregation
    deg = mask.sum(axis=0)                       # in-degree per dst node
    inv_deg = jnp.where(deg > 0, 1.0 / jnp.clip(deg, 1.0), 0.0)
    res = jnp.transpose(x, (2, 1, 0, 3))        # [N, C, B, L]
    res = _sage_conv(res, mask_T, inv_deg, W_self1, W_neigh1, b1)
    res = _sage_conv(res, mask_T, inv_deg, W_self2, W_neigh2, b2)
    res = jnp.transpose(res, (2, 1, 0, 3))      # [B, C, N, L]
    L0 = jnp.eye(N, dtype=x.dtype) * 3.5
    Ls = jnp.stack([L0, adj])                    # [2, N, N]
    out = jnp.einsum('bcnl,knq->bckql', res, Ls)
    return out.reshape(B, C * 2, N, L)

if __name__ == "__main__":
    import jax
    _d = setup_inputs()
    print(jax.jit(kernel)(*tuple(_d.values())))

</pallas_src>

<mosaic_0001>
module attributes {stable_mosaic.version = 14 : i64} {
  func.func @_body(%arg0: i32, %arg1: memref<512x512xf32, #tpu.memory_space<vmem>>, %arg2: memref<2x512x576xbf16, #tpu.memory_space<vmem>>, %arg3: memref<24x24xf32, #tpu.memory_space<vmem>>, %arg4: memref<24x24xf32, #tpu.memory_space<vmem>>, %arg5: memref<1x24xf32, #tpu.memory_space<vmem>>, %arg6: memref<24x24xf32, #tpu.memory_space<vmem>>, %arg7: memref<24x24xf32, #tpu.memory_space<vmem>>, %arg8: memref<1x24xf32, #tpu.memory_space<vmem>>, %arg9: memref<2x2x512x576xbf16, #tpu.memory_space<vmem>>, %arg10: memref<512x512xbf16, #tpu.memory_space<vmem>>, %arg11: memref<512x512xbf16, #tpu.memory_space<vmem>>, %arg12: memref<576x576xbf16, #tpu.memory_space<vmem>>, %arg13: memref<576x576xbf16, #tpu.memory_space<vmem>>, %arg14: memref<576x576xbf16, #tpu.memory_space<vmem>>, %arg15: memref<512x576xf32, #tpu.memory_space<vmem>>) attributes {dimension_semantics = [#tpu.dimension_semantics<arbitrary>], iteration_bounds = array<i64: 32>, scalar_prefetch = 0 : i64, scratch_operands = 6 : i64, tpu.core_type = #tpu.core_type<tc>, window_params = [{pipeline_mode = #tpu.pipeline_mode<synchronous>, transform_indices = @transform_0, window_bounds = array<i64: 512, 512>}, {transform_indices = @transform_1, window_bounds = array<i64: 2, 512, 576>}, {pipeline_mode = #tpu.pipeline_mode<synchronous>, transform_indices = @transform_2, window_bounds = array<i64: 24, 24>}, {pipeline_mode = #tpu.pipeline_mode<synchronous>, transform_indices = @transform_3, window_bounds = array<i64: 24, 24>}, {pipeline_mode = #tpu.pipeline_mode<synchronous>, transform_indices = @transform_4, window_bounds = array<i64: 1, 24>}, {pipeline_mode = #tpu.pipeline_mode<synchronous>, transform_indices = @transform_5, window_bounds = array<i64: 24, 24>}, {pipeline_mode = #tpu.pipeline_mode<synchronous>, transform_indices = @transform_6, window_bounds = array<i64: 24, 24>}, {pipeline_mode = #tpu.pipeline_mode<synchronous>, transform_indices = @transform_7, window_bounds = array<i64: 1, 24>}, {transform_indices = @transform_8, window_bounds = array<i64: 2, 2, 512, 576>}]} {
    %eq3A = arith.constant 0 : i32
    %eq3A_0 = arith.cmpi eq, %arg0, %eq3A : i32
    %convert_element_type3A = arith.extui %eq3A_0 : i1 to i32
    %cond3A = arith.constant 0 : i32
    %cond3A_1 = arith.cmpi ne, %convert_element_type3A, %cond3A : i32
    scf.if %cond3A_1 {
      %get3A_107 = arith.constant 0 : index
      %get3A_108 = arith.constant 0 : index
      %get3A_109 = vector.load %arg1[%get3A_107, %get3A_108] : memref<512x512xf32, #tpu.memory_space<vmem>>, vector<512x512xf32>
      %ne3A = arith.constant 0.000000e+00 : f32
      %ne3A_110 = vector.broadcast %ne3A : f32 to vector<512x512xf32>
      %ne3A_111 = arith.cmpf one, %get3A_109, %ne3A_110 : vector<512x512xf32>
      %convert_element_type3A_112 = arith.extui %ne3A_111 : vector<512x512xi1> to vector<512x512xi32>
      %convert_element_type3A_113 = arith.sitofp %convert_element_type3A_112 : vector<512x512xi32> to vector<512x512xf32>
      %reduce_sum3A = arith.constant dense<0.000000e+00> : vector<512xf32>
      %reduce_sum3A_114 = vector.multi_reduction <add>, %convert_element_type3A_113, %reduce_sum3A [0] : vector<512x512xf32> to vector<512xf32>
      %broadcast_in_dim3A = vector.shape_cast %reduce_sum3A_114 : vector<512xf32> to vector<1x512xf32>
      %gt3A = arith.constant 0.000000e+00 : f32
      %gt3A_115 = vector.broadcast %gt3A : f32 to vector<1x512xf32>
      %gt3A_116 = arith.cmpf ogt, %broadcast_in_dim3A, %gt3A_115 : vector<1x512xf32>
      %jit3A = arith.constant 1.000000e+00 : f32
      %max3A = vector.broadcast %jit3A : f32 to vector<1x512xf32>
      %max3A_117 = arith.maximumf %max3A, %broadcast_in_dim3A : vector<1x512xf32>
      %div3A = arith.constant 1.000000e+00 : f32
      %div3A_118 = vector.broadcast %div3A : f32 to vector<1x512xf32>
      %div3A_119 = arith.divf %div3A_118, %max3A_117 : vector<1x512xf32>
      %jit3A_120 = arith.constant 0.000000e+00 : f32
      %broadcast_in_dim3A_121 = vector.broadcast %jit3A_120 : f32 to vector<1x512xf32>
      %select_n3A = arith.select %gt3A_116, %div3A_119, %broadcast_in_dim3A_121 : vector<1x512xi1>, vector<1x512xf32>
      %mul3A = vector.broadcast %select_n3A : vector<1x512xf32> to vector<512x512xf32>
      %mul3A_122 = arith.mulf %convert_element_type3A_113, %mul3A : vector<512x512xf32>
      %transpose3A = tpu.transpose %mul3A_122, [1, 0] : vector<512x512xf32> -> vector<512x512xf32>
      %convert_element_type3A_123 = arith.truncf %transpose3A : vector<512x512xf32> to vector<512x512xbf16>
      %swap3A_124 = arith.constant 0 : index
      %swap3A_125 = arith.constant 0 : index
      %swap3A_126 = vector.load %arg10[%swap3A_124, %swap3A_125] : memref<512x512xbf16, #tpu.memory_space<vmem>>, vector<512x512xbf16>
      tpu.vector_store %arg10[%swap3A_124, %swap3A_125], %convert_element_type3A_123 {strides = array<i32>} : memref<512x512xbf16, #tpu.memory_space<vmem>>, vector<512x512xbf16>,
      %mul3A_127 = arith.constant 0.285714298 : f32
      %mul3A_128 = vector.broadcast %mul3A_127 : f32 to vector<512x512xf32>
      %mul3A_129 = arith.mulf %get3A_109, %mul3A_128 : vector<512x512xf32>
      %transpose3A_130 = tpu.transpose %mul3A_129, [1, 0] : vector<512x512xf32> -> vector<512x512xf32>
      %convert_element_type3A_131 = arith.truncf %transpose3A_130 : vector<512x512xf32> to vector<512x512xbf16>
      %swap3A_132 = arith.constant 0 : index
      %swap3A_133 = arith.constant 0 : index
      %swap3A_134 = vector.load %arg11[%swap3A_132, %swap3A_133] : memref<512x512xbf16, #tpu.memory_space<vmem>>, vector<512x512xbf16>
      tpu.vector_store %arg11[%swap3A_132, %swap3A_133], %convert_element_type3A_131 {strides = array<i32>} : memref<512x512xbf16, #tpu.memory_space<vmem>>, vector<512x512xbf16>,
      %get3A_135 = arith.constant 0 : index
      %get3A_136 = arith.constant 0 : index
      %get3A_137 = vector.load %arg3[%get3A_135, %get3A_136] : memref<24x24xf32, #tpu.memory_space<vmem>>, vector<24x24xf32>
      %get3A_138 = arith.constant 0 : index
      %get3A_139 = arith.constant 0 : index
      %get3A_140 = vector.load %arg4[%get3A_138, %get3A_139] : memref<24x24xf32, #tpu.memory_space<vmem>>, vector<24x24xf32>
      %get3A_141 = arith.constant 0 : index
      %get3A_142 = arith.constant 0 : index
      %get3A_143 = vector.load %arg6[%get3A_141, %get3A_142] : memref<24x24xf32, #tpu.memory_space<vmem>>, vector<24x24xf32>
      %get3A_144 = arith.constant 0 : index
      %get3A_145 = arith.constant 0 : index
      %get3A_146 = vector.load %arg7[%get3A_144, %get3A_145] : memref<24x24xf32, #tpu.memory_space<vmem>>, vector<24x24xf32>
      %dot_general3A_147 = arith.constant dense<0.000000e+00> : vector<24x24xf32>
      %dot_general3A_148 = tpu.matmul %get3A_137, %get3A_143, %dot_general3A_147 {dimension_numbers = #tpu.dot_dimension_numbers<[0], [1], [1], [0], [0, 1, 1, 0], [], []>, transpose_lhs_hint = false} : vector<24x24xf32>, vector<24x24xf32>, vector<24x24xf32> -> vector<24x24xf32>
      %dot_general3A_149 = arith.constant dense<0.000000e+00> : vector<24x24xf32>
      %dot_general3A_150 = tpu.matmul %get3A_140, %get3A_143, %dot_general3A_149 {dimension_numbers = #tpu.dot_dimension_numbers<[0], [1], [1], [0], [0, 1, 1, 0], [], []>, transpose_lhs_hint = false} : vector<24x24xf32>, vector<24x24xf32>, vector<24x24xf32> -> vector<24x24xf32>
      %dot_general3A_151 = arith.constant dense<0.000000e+00> : vector<24x24xf32>
      %dot_general3A_152 = tpu.matmul %get3A_137, %get3A_146, %dot_general3A_151 {dimension_numbers = #tpu.dot_dimension_numbers<[0], [1], [1], [0], [0, 1, 1, 0], [], []>, transpose_lhs_hint = false} : vector<24x24xf32>, vector<24x24xf32>, vector<24x24xf32> -> vector<24x24xf32>
      %add3A_153 = arith.addf %dot_general3A_150, %dot_general3A_152 : vector<24x24xf32>
      %dot_general3A_154 = arith.constant dense<0.000000e+00> : vector<24x24xf32>
      %dot_general3A_155 = tpu.matmul %get3A_140, %get3A_146, %dot_general3A_154 {dimension_numbers = #tpu.dot_dimension_numbers<[0], [1], [1], [0], [0, 1, 1, 0], [], []>, transpose_lhs_hint = false} : vector<24x24xf32>, vector<24x24xf32>, vector<24x24xf32> -> vector<24x24xf32>
      %iota3A = tpu.iota {dimensions = array<i32: 0>} : vector<576x576xi32>
      %jit3A_156 = arith.constant 24 : i32
      %div3A_157 = vector.broadcast %jit3A_156 : i32 to vector<576x576xi32>
      %div3A_158 = arith.divsi %iota3A, %div3A_157 : vector<576x576xi32>
      %sign3A = arith.constant 0 : i32
      %sign3A_159 = vector.broadcast %sign3A : i32 to vector<576x576xi32>
      %sign3A_160 = arith.cmpi sgt, %iota3A, %sign3A_159 : vector<576x576xi32>
      %sign3A_161 = arith.extui %sign3A_160 : vector<576x576xi1> to vector<576x576xi32>
      %sign3A_162 = arith.constant 0 : i32
      %sign3A_163 = vector.broadcast %sign3A_162 : i32 to vector<576x576xi32>
      %sign3A_164 = arith.cmpi slt, %iota3A, %sign3A_163 : vector<576x576xi32>
      %sign3A_165 = arith.extui %sign3A_164 : vector<576x576xi1> to vector<576x576xi32>
      %sign3A_166 = arith.subi %sign3A_161, %sign3A_165 : vector<576x576xi32>
      %sign3A_167 = arith.constant 0 : i32
      %sign3A_168 = arith.cmpi sgt, %jit3A_156, %sign3A_167 : i32
      %sign3A_169 = arith.extui %sign3A_168 : i1 to i32
      %sign3A_170 = arith.constant 0 : i32
      %sign3A_171 = arith.cmpi slt, %jit3A_156, %sign3A_170 : i32
      %sign3A_172 = arith.extui %sign3A_171 : i1 to i32
      %sign3A_173 = arith.subi %sign3A_169, %sign3A_172 : i32
      %ne3A_174 = vector.broadcast %sign3A_173 : i32 to vector<576x576xi32>
      %ne3A_175 = arith.cmpi ne, %sign3A_166, %ne3A_174 : vector<576x576xi32>
      %rem3A = vector.broadcast %jit3A_156 : i32 to vector<576x576xi32>
      %rem3A_176 = arith.remsi %iota3A, %rem3A : vector<576x576xi32>
      %ne3A_177 = arith.constant 0 : i32
      %ne3A_178 = vector.broadcast %ne3A_177 : i32 to vector<576x576xi32>
      %ne3A_179 = arith.cmpi ne, %rem3A_176, %ne3A_178 : vector<576x576xi32>
      %and3A = arith.andi %ne3A_175, %ne3A_179 : vector<576x576xi1>
      %sub3A = arith.constant 1 : i32
      %sub3A_180 = vector.broadcast %sub3A : i32 to vector<576x576xi32>
      %sub3A_181 = arith.subi %div3A_158, %sub3A_180 : vector<576x576xi32>
      %select_n3A_182 = arith.select %and3A, %sub3A_181, %div3A_158 : vector<576x576xi1>, vector<576x576xi32>
      %iota3A_183 = tpu.iota {dimensions = array<i32: 1>} : vector<576x576xi32>
      %jit3A_184 = arith.constant 24 : i32
      %div3A_185 = vector.broadcast %jit3A_184 : i32 to vector<576x576xi32>
      %div3A_186 = arith.divsi %iota3A_183, %div3A_185 : vector<576x576xi32>
      %sign3A_187 = arith.constant 0 : i32
      %sign3A_188 = vector.broadcast %sign3A_187 : i32 to vector<576x576xi32>
      %sign3A_189 = arith.cmpi sgt, %iota3A_183, %sign3A_188 : vector<576x576xi32>
      %sign3A_190 = arith.extui %sign3A_189 : vector<576x576xi1> to vector<576x576xi32>
      %sign3A_191 = arith.constant 0 : i32
      %sign3A_192 = vector.broadcast %sign3A_191 : i32 to vector<576x576xi32>
      %sign3A_193 = arith.cmpi slt, %iota3A_183, %sign3A_192 : vector<576x576xi32>
      %sign3A_194 = arith.extui %sign3A_193 : vector<576x576xi1> to vector<576x576xi32>
      %sign3A_195 = arith.subi %sign3A_190, %sign3A_194 : vector<576x576xi32>
      %sign3A_196 = arith.constant 0 : i32
      %sign3A_197 = arith.cmpi sgt, %jit3A_184, %sign3A_196 : i32
      %sign3A_198 = arith.extui %sign3A_197 : i1 to i32
      %sign3A_199 = arith.constant 0 : i32
      %sign3A_200 = arith.cmpi slt, %jit3A_184, %sign3A_199 : i32
      %sign3A_201 = arith.extui %sign3A_200 : i1 to i32
      %sign3A_202 = arith.subi %sign3A_198, %sign3A_201 : i32
      %ne3A_203 = vector.broadcast %sign3A_202 : i32 to vector<576x576xi32>
      %ne3A_204 = arith.cmpi ne, %sign3A_195, %ne3A_203 : vector<576x576xi32>
      %rem3A_205 = vector.broadcast %jit3A_184 : i32 to vector<576x576xi32>
      %rem3A_206 = arith.remsi %iota3A_183, %rem3A_205 : vector<576x576xi32>
      %ne3A_207 = arith.constant 0 : i32
      %ne3A_208 = vector.broadcast %ne3A_207 : i32 to vector<576x576xi32>
      %ne3A_209 = arith.cmpi ne, %rem3A_206, %ne3A_208 : vector<576x576xi32>
      %and3A_210 = arith.andi %ne3A_204, %ne3A_209 : vector<576x576xi1>
      %sub3A_211 = arith.constant 1 : i32
      %sub3A_212 = vector.broadcast %sub3A_211 : i32 to vector<576x576xi32>
      %sub3A_213 = arith.subi %div3A_186, %sub3A_212 : vector<576x576xi32>
      %select_n3A_214 = arith.select %and3A_210, %sub3A_213, %div3A_186 : vector<576x576xi1>, vector<576x576xi32>
      %eq3A_215 = arith.cmpi eq, %select_n3A_182, %select_n3A_214 : vector<576x576xi32>
      %convert_element_type3A_216 = arith.extui %eq3A_215 : vector<576x576xi1> to vector<576x576xi32>
      %convert_element_type3A_217 = arith.sitofp %convert_element_type3A_216 : vector<576x576xi32> to vector<576x576xf32>
      %mul3A_218 = arith.constant 3.500000e+00 : f32
      %mul3A_219 = vector.broadcast %mul3A_218 : f32 to vector<24x24xf32>
      %mul3A_220 = arith.mulf %dot_general3A_148, %mul3A_219 : vector<24x24xf32>
      %tile3A = tpu.concatenate %mul3A_220, %mul3A_220, %mul3A_220, %mul3A_220, %mul3A_220, %mul3A_220, %mul3A_220, %mul3A_220, %mul3A_220, %mul3A_220, %mul3A_220, %mul3A_220, %mul3A_220, %mul3A_220, %mul3A_220, %mul3A_220, %mul3A_220, %mul3A_220, %mul3A_220, %mul3A_220, %mul3A_220, %mul3A_220, %mul3A_220, %mul3A_220 in 0 : vector<24x24xf32>, vector<24x24xf32>, vector<24x24xf32>, vector<24x24xf32>, vector<24x24xf32>, vector<24x24xf32>, vector<24x24xf32>, vector<24x24xf32>, vector<24x24xf32>, vector<24x24xf32>, vector<24x24xf32>, vector<24x24xf32>, vector<24x24xf32>, vector<24x24xf32>, vector<24x24xf32>, vector<24x24xf32>, vector<24x24xf32>, vector<24x24xf32>, vector<24x24xf32>, vector<24x24xf32>, vector<24x24xf32>, vector<24x24xf32>, vector<24x24xf32>, vector<24x24xf32> -> vector<576x24xf32>
      %tile3A_221 = tpu.concatenate %tile3A, %tile3A, %tile3A, %tile3A, %tile3A, %tile3A, %tile3A, %tile3A, %tile3A, %tile3A, %tile3A, %tile3A, %tile3A, %tile3A, %tile3A, %tile3A, %tile3A, %tile3A, %tile3A, %tile3A, %tile3A, %tile3A, %tile3A, %tile3A in 1 : vector<576x24xf32>, vector<576x24xf32>, vector<576x24xf32>, vector<576x24xf32>, vector<576x24xf32>, vector<576x24xf32>, vector<576x24xf32>, vector<576x24xf32>, vector<576x24xf32>, vector<576x24xf32>, vector<576x24xf32>, vector<576x24xf32>, vector<576x24xf32>, vector<576x24xf32>, vector<576x24xf32>, vector<576x24xf32>, vector<576x24xf32>, vector<576x24xf32>, vector<576x24xf32>, vector<576x24xf32>, vector<576x24xf32>, vector<576x24xf32>, vector<576x24xf32>, vector<576x24xf32> -> vector<576x576xf32>
      %mul3A_222 = arith.mulf %tile3A_221, %convert_element_type3A_217 : vector<576x576xf32>
      %convert_element_type3A_223 = arith.truncf %mul3A_222 : vector<576x576xf32> to vector<576x576xbf16>
      %swap3A_224 = arith.constant 0 : index
      %swap3A_225 = arith.constant 0 : index
      %swap3A_226 = vector.load %arg12[%swap3A_224, %swap3A_225] : memref<576x576xbf16, #tpu.memory_space<vmem>>, vector<576x576xbf16>
      tpu.vector_store %arg12[%swap3A_224, %swap3A_225], %convert_element_type3A_223 {strides = array<i32>} : memref<576x576xbf16, #tpu.memory_space<vmem>>, vector<576x576xbf16>,
      %mul3A_227 = arith.constant 3.500000e+00 : f32
      %mul3A_228 = vector.broadcast %mul3A_227 : f32 to vector<24x24xf32>
      %mul3A_229 = arith.mulf %add3A_153, %mul3A_228 : vector<24x24xf32>
      %tile3A_230 = tpu.concatenate %mul3A_229, %mul3A_229, %mul3A_229, %mul3A_229, %mul3A_229, %mul3A_229, %mul3A_229, %mul3A_229, %mul3A_229, %mul3A_229, %mul3A_229, %mul3A_229, %mul3A_229, %mul3A_229, %mul3A_229, %mul3A_229, %mul3A_229, %mul3A_229, %mul3A_229, %mul3A_229, %mul3A_229, %mul3A_229, %mul3A_229, %mul3A_229 in 0 : vector<24x24xf32>, vector<24x24xf32>, vector<24x24xf32>, vector<24x24xf32>, vector<24x24xf32>, vector<24x24xf32>, vector<24x24xf32>, vector<24x24xf32>, vector<24x24xf32>, vector<24x24xf32>, vector<24x24xf32>, vector<24x24xf32>, vector<24x24xf32>, vector<24x24xf32>, vector<24x24xf32>, vector<24x24xf32>, vector<24x24xf32>, vector<24x24xf32>, vector<24x24xf32>, vector<24x24xf32>, vector<24x24xf32>, vector<24x24xf32>, vector<24x24xf32>, vector<24x24xf32> -> vector<576x24xf32>
      %tile3A_231 = tpu.concatenate %tile3A_230, %tile3A_230, %tile3A_230, %tile3A_230, %tile3A_230, %tile3A_230, %tile3A_230, %tile3A_230, %tile3A_230, %tile3A_230, %tile3A_230, %tile3A_230, %tile3A_230, %tile3A_230, %tile3A_230, %tile3A_230, %tile3A_230, %tile3A_230, %tile3A_230, %tile3A_230, %tile3A_230, %tile3A_230, %tile3A_230, %tile3A_230 in 1 : vector<576x24xf32>, vector<576x24xf32>, vector<576x24xf32>, vector<576x24xf32>, vector<576x24xf32>, vector<576x24xf32>, vector<576x24xf32>, vector<576x24xf32>, vector<576x24xf32>, vector<576x24xf32>, vector<576x24xf32>, vector<576x24xf32>, vector<576x24xf32>, vector<576x24xf32>, vector<576x24xf32>, vector<576x24xf32>, vector<576x24xf32>, vector<576x24xf32>, vector<576x24xf32>, vector<576x24xf32>, vector<576x24xf32>, vector<576x24xf32>, vector<576x24xf32>, vector<576x24xf32> -> vector<576x576xf32>
      %mul3A_232 = arith.mulf %tile3A_231, %convert_element_type3A_217 : vector<576x576xf32>
      %convert_element_type3A_233 = arith.truncf %mul3A_232 : vector<576x576xf32> to vector<576x576xbf16>
      %swap3A_234 = arith.constant 0 : index
      %swap3A_235 = arith.constant 0 : index
      %swap3A_236 = vector.load %arg13[%swap3A_234, %swap3A_235] : memref<576x576xbf16, #tpu.memory_space<vmem>>, vector<576x576xbf16>
      tpu.vector_store %arg13[%swap3A_234, %swap3A_235], %convert_element_type3A_233 {strides = array<i32>} : memref<576x576xbf16, #tpu.memory_space<vmem>>, vector<576x576xbf16>,
      %mul3A_237 = arith.constant 3.500000e+00 : f32
      %mul3A_238 = vector.broadcast %mul3A_237 : f32 to vector<24x24xf32>
      %mul3A_239 = arith.mulf %dot_general3A_155, %mul3A_238 : vector<24x24xf32>
      %tile3A_240 = tpu.concatenate %mul3A_239, %mul3A_239, %mul3A_239, %mul3A_239, %mul3A_239, %mul3A_239, %mul3A_239, %mul3A_239, %mul3A_239, %mul3A_239, %mul3A_239, %mul3A_239, %mul3A_239, %mul3A_239, %mul3A_239, %mul3A_239, %mul3A_239, %mul3A_239, %mul3A_239, %mul3A_239, %mul3A_239, %mul3A_239, %mul3A_239, %mul3A_239 in 0 : vector<24x24xf32>, vector<24x24xf32>, vector<24x24xf32>, vector<24x24xf32>, vector<24x24xf32>, vector<24x24xf32>, vector<24x24xf32>, vector<24x24xf32>, vector<24x24xf32>, vector<24x24xf32>, vector<24x24xf32>, vector<24x24xf32>, vector<24x24xf32>, vector<24x24xf32>, vector<24x24xf32>, vector<24x24xf32>, vector<24x24xf32>, vector<24x24xf32>, vector<24x24xf32>, vector<24x24xf32>, vector<24x24xf32>, vector<24x24xf32>, vector<24x24xf32>, vector<24x24xf32> -> vector<576x24xf32>
      %tile3A_241 = tpu.concatenate %tile3A_240, %tile3A_240, %tile3A_240, %tile3A_240, %tile3A_240, %tile3A_240, %tile3A_240, %tile3A_240, %tile3A_240, %tile3A_240, %tile3A_240, %tile3A_240, %tile3A_240, %tile3A_240, %tile3A_240, %tile3A_240, %tile3A_240, %tile3A_240, %tile3A_240, %tile3A_240, %tile3A_240, %tile3A_240, %tile3A_240, %tile3A_240 in 1 : vector<576x24xf32>, vector<576x24xf32>, vector<576x24xf32>, vector<576x24xf32>, vector<576x24xf32>, vector<576x24xf32>, vector<576x24xf32>, vector<576x24xf32>, vector<576x24xf32>, vector<576x24xf32>, vector<576x24xf32>, vector<576x24xf32>, vector<576x24xf32>, vector<576x24xf32>, vector<576x24xf32>, vector<576x24xf32>, vector<576x24xf32>, vector<576x24xf32>, vector<576x24xf32>, vector<576x24xf32>, vector<576x24xf32>, vector<576x24xf32>, vector<576x24xf32>, vector<576x24xf32> -> vector<576x576xf32>
      %mul3A_242 = arith.mulf %tile3A_241, %convert_element_type3A_217 : vector<576x576xf32>
      %convert_element_type3A_243 = arith.truncf %mul3A_242 : vector<576x576xf32> to vector<576x576xbf16>
      %swap3A_244 = arith.constant 0 : index
      %swap3A_245 = arith.constant 0 : index
      %swap3A_246 = vector.load %arg14[%swap3A_244, %swap3A_245] : memref<576x576xbf16, #tpu.memory_space<vmem>>, vector<576x576xbf16>
      tpu.vector_store %arg14[%swap3A_244, %swap3A_245], %convert_element_type3A_243 {strides = array<i32>} : memref<576x576xbf16, #tpu.memory_space<vmem>>, vector<576x576xbf16>,
      %get3A_247 = arith.constant 0 : index
      %get3A_248 = arith.constant 0 : index
      %get3A_249 = vector.load %arg5[%get3A_247, %get3A_248] : memref<1x24xf32, #tpu.memory_space<vmem>>, vector<1x24xf32>
      %get3A_250 = arith.constant 0 : index
      %get3A_251 = arith.constant 0 : index
      %get3A_252 = vector.load %arg8[%get3A_250, %get3A_251] : memref<1x24xf32, #tpu.memory_space<vmem>>, vector<1x24xf32>
      %dot_general3A_253 = arith.constant dense<0.000000e+00> : vector<1x24xf32>
      %dot_general3A_254 = tpu.matmul %get3A_249, %get3A_143, %dot_general3A_253 {dimension_numbers = #tpu.dot_dimension_numbers<[1], [1], [0], [0], [0, 0, 1, 0], [], []>, transpose_lhs_hint = false} : vector<1x24xf32>, vector<24x24xf32>, vector<1x24xf32> -> vector<1x24xf32>
      %add3A_255 = arith.addf %dot_general3A_254, %get3A_252 : vector<1x24xf32>
      %dot_general3A_256 = arith.constant dense<0.000000e+00> : vector<1x24xf32>
      %dot_general3A_257 = tpu.matmul %get3A_249, %get3A_146, %dot_general3A_256 {dimension_numbers = #tpu.dot_dimension_numbers<[1], [1], [0], [0], [0, 0, 1, 0], [], []>, transpose_lhs_hint = false} : vector<1x24xf32>, vector<24x24xf32>, vector<1x24xf32> -> vector<1x24xf32>
      %gt3A_258 = arith.constant 0.000000e+00 : f32
      %gt3A_259 = vector.broadcast %gt3A_258 : f32 to vector<1x512xf32>
      %gt3A_260 = arith.cmpf ogt, %broadcast_in_dim3A, %gt3A_259 : vector<1x512xf32>
      %jit3A_261 = arith.constant 1.000000e+00 : f32
      %jit3A_262 = arith.constant 0.000000e+00 : f32
      %broadcast_in_dim3A_263 = vector.broadcast %jit3A_261 : f32 to vector<1x512xf32>
      %broadcast_in_dim3A_264 = vector.broadcast %jit3A_262 : f32 to vector<1x512xf32>
      %select_n3A_265 = arith.select %gt3A_260, %broadcast_in_dim3A_263, %broadcast_in_dim3A_264 : vector<1x512xi1>, vector<1x512xf32>
      %transpose3A_266 = tpu.transpose %select_n3A_265, [1, 0] : vector<1x512xf32> -> vector<512x1xf32>
      %mul3A_267 = vector.broadcast %transpose3A_266 : vector<512x1xf32> to vector<512x24xf32>
      %mul3A_268 = vector.broadcast %dot_general3A_257 : vector<1x24xf32> to vector<512x24xf32>
      %mul3A_269 = arith.mulf %mul3A_267, %mul3A_268 : vector<512x24xf32>
      %add3A_270 = vector.broadcast %add3A_255 : vector<1x24xf32> to vector<512x24xf32>
      %add3A_271 = arith.addf %add3A_270, %mul3A_269 : vector<512x24xf32>
      %mul3A_272 = arith.constant 3.500000e+00 : f32
      %mul3A_273 = vector.broadcast %mul3A_272 : f32 to vector<512x24xf32>
      %mul3A_274 = arith.mulf %mul3A_273, %add3A_271 : vector<512x24xf32>
      %tile3A_275 = tpu.concatenate %mul3A_274, %mul3A_274, %mul3A_274, %mul3A_274, %mul3A_274, %mul3A_274, %mul3A_274, %mul3A_274, %mul3A_274, %mul3A_274, %mul3A_274, %mul3A_274, %mul3A_274, %mul3A_274, %mul3A_274, %mul3A_274, %mul3A_274, %mul3A_274, %mul3A_274, %mul3A_274, %mul3A_274, %mul3A_274, %mul3A_274, %mul3A_274 in 1 : vector<512x24xf32>, vector<512x24xf32>, vector<512x24xf32>, vector<512x24xf32>, vector<512x24xf32>, vector<512x24xf32>, vector<512x24xf32>, vector<512x24xf32>, vector<512x24xf32>, vector<512x24xf32>, vector<512x24xf32>, vector<512x24xf32>, vector<512x24xf32>, vector<512x24xf32>, vector<512x24xf32>, vector<512x24xf32>, vector<512x24xf32>, vector<512x24xf32>, vector<512x24xf32>, vector<512x24xf32>, vector<512x24xf32>, vector<512x24xf32>, vector<512x24xf32>, vector<512x24xf32> -> vector<512x576xf32>
      %swap3A_276 = arith.constant 0 : index
      %swap3A_277 = arith.constant 0 : index
      %swap3A_278 = vector.load %arg15[%swap3A_276, %swap3A_277] : memref<512x576xf32, #tpu.memory_space<vmem>>, vector<512x576xf32>
      tpu.vector_store %arg15[%swap3A_276, %swap3A_277], %tile3A_275 {strides = array<i32>} : memref<512x576xf32, #tpu.memory_space<vmem>>, vector<512x576xf32>,
    } else {
    }
    %get3A = arith.constant 0 : index
    %get3A_2 = arith.constant 0 : index
    %get3A_3 = vector.load %arg10[%get3A, %get3A_2] : memref<512x512xbf16, #tpu.memory_space<vmem>>, vector<512x512xbf16>
    %get3A_4 = arith.constant 0 : index
    %get3A_5 = arith.constant 0 : index
    %get3A_6 = arith.constant 0 : index
    %get3A_7 = vector.load %arg2[%get3A_4, %get3A_5, %get3A_6] : memref<2x512x576xbf16, #tpu.memory_space<vmem>>, vector<1x512x576xbf16>
    %get3A_8 = vector.shape_cast %get3A_7 : vector<1x512x576xbf16> to vector<512x576xbf16>
    %dot_general3A = arith.constant dense<0.000000e+00> : vector<512x576xf32>
    %dot_general3A_9 = tpu.matmul %get3A_3, %get3A_8, %dot_general3A {dimension_numbers = #tpu.dot_dimension_numbers<[1], [0], [0], [1], [0, 0, 1, 1], [], []>, transpose_lhs_hint = false} : vector<512x512xbf16>, vector<512x576xbf16>, vector<512x576xf32> -> vector<512x576xf32>
    %convert_element_type3A_10 = arith.truncf %dot_general3A_9 : vector<512x576xf32> to vector<512x576xbf16>
    %dot_general3A_11 = arith.constant dense<0.000000e+00> : vector<512x576xf32>
    %dot_general3A_12 = tpu.matmul %get3A_3, %convert_element_type3A_10, %dot_general3A_11 {dimension_numbers = #tpu.dot_dimension_numbers<[1], [0], [0], [1], [0, 0, 1, 1], [], []>, transpose_lhs_hint = false} : vector<512x512xbf16>, vector<512x576xbf16>, vector<512x576xf32> -> vector<512x576xf32>
    %convert_element_type3A_13 = arith.truncf %dot_general3A_12 : vector<512x576xf32> to vector<512x576xbf16>
    %get3A_14 = arith.constant 0 : index
    %get3A_15 = arith.constant 0 : index
    %get3A_16 = vector.load %arg12[%get3A_14, %get3A_15] : memref<576x576xbf16, #tpu.memory_space<vmem>>, vector<576x576xbf16>
    %dot_general3A_17 = arith.constant dense<0.000000e+00> : vector<512x576xf32>
    %dot_general3A_18 = tpu.matmul %get3A_8, %get3A_16, %dot_general3A_17 {dimension_numbers = #tpu.dot_dimension_numbers<[1], [0], [0], [1], [0, 0, 1, 1], [], []>, transpose_lhs_hint = false} : vector<512x576xbf16>, vector<576x576xbf16>, vector<512x576xf32> -> vector<512x576xf32>
    %get3A_19 = arith.constant 0 : index
    %get3A_20 = arith.constant 0 : index
    %get3A_21 = vector.load %arg13[%get3A_19, %get3A_20] : memref<576x576xbf16, #tpu.memory_space<vmem>>, vector<576x576xbf16>
    %dot_general3A_22 = arith.constant dense<0.000000e+00> : vector<512x576xf32>
    %dot_general3A_23 = tpu.matmul %convert_element_type3A_10, %get3A_21, %dot_general3A_22 {dimension_numbers = #tpu.dot_dimension_numbers<[1], [0], [0], [1], [0, 0, 1, 1], [], []>, transpose_lhs_hint = false} : vector<512x576xbf16>, vector<576x576xbf16>, vector<512x576xf32> -> vector<512x576xf32>
    %add3A = arith.addf %dot_general3A_18, %dot_general3A_23 : vector<512x576xf32>
    %get3A_24 = arith.constant 0 : index
    %get3A_25 = arith.constant 0 : index
    %get3A_26 = vector.load %arg14[%get3A_24, %get3A_25] : memref<576x576xbf16, #tpu.memory_space<vmem>>, vector<576x576xbf16>
    %dot_general3A_27 = arith.constant dense<0.000000e+00> : vector<512x576xf32>
    %dot_general3A_28 = tpu.matmul %convert_element_type3A_13, %get3A_26, %dot_general3A_27 {dimension_numbers = #tpu.dot_dimension_numbers<[1], [0], [0], [1], [0, 0, 1, 1], [], []>, transpose_lhs_hint = false} : vector<512x576xbf16>, vector<576x576xbf16>, vector<512x576xf32> -> vector<512x576xf32>
    %add3A_29 = arith.addf %add3A, %dot_general3A_28 : vector<512x576xf32>
    %get3A_30 = arith.constant 0 : index
    %get3A_31 = arith.constant 0 : index
    %get3A_32 = vector.load %arg15[%get3A_30, %get3A_31] : memref<512x576xf32, #tpu.memory_space<vmem>>, vector<512x576xf32>
    %add3A_33 = arith.addf %add3A_29, %get3A_32 : vector<512x576xf32>
    %convert_element_type3A_34 = arith.truncf %add3A_33 : vector<512x576xf32> to vector<512x576xbf16>
    %swap3A = arith.constant 0 : index
    %swap3A_35 = arith.constant 0 : index
    %swap3A_36 = arith.constant 0 : index
    %swap3A_37 = arith.constant 0 : index
    %swap3A_38 = vector.load %arg9[%swap3A, %swap3A_35, %swap3A_36, %swap3A_37] : memref<2x2x512x576xbf16, #tpu.memory_space<vmem>>, vector<1x1x512x576xbf16>
    %swap3A_39 = vector.shape_cast %swap3A_38 : vector<1x1x512x576xbf16> to vector<512x576xbf16>
    %swap3A_40 = vector.shape_cast %convert_element_type3A_34 : vector<512x576xbf16> to vector<1x1x512x576xbf16>
    tpu.vector_store %arg9[%swap3A, %swap3A_35, %swap3A_36, %swap3A_37], %swap3A_40 {strides = array<i32>} : memref<2x2x512x576xbf16, #tpu.memory_space<vmem>>, vector<1x1x512x576xbf16>,
    %get3A_41 = arith.constant 0 : index
    %get3A_42 = arith.constant 0 : index
    %get3A_43 = vector.load %arg11[%get3A_41, %get3A_42] : memref<512x512xbf16, #tpu.memory_space<vmem>>, vector<512x512xbf16>
    %dot_general3A_44 = arith.constant dense<0.000000e+00> : vector<512x576xf32>
    %dot_general3A_45 = tpu.matmul %get3A_43, %convert_element_type3A_34, %dot_general3A_44 {dimension_numbers = #tpu.dot_dimension_numbers<[1], [0], [0], [1], [0, 0, 1, 1], [], []>, transpose_lhs_hint = false} : vector<512x512xbf16>, vector<512x576xbf16>, vector<512x576xf32> -> vector<512x576xf32>
    %convert_element_type3A_46 = arith.truncf %dot_general3A_45 : vector<512x576xf32> to vector<512x576xbf16>
    %swap3A_47 = arith.constant 1 : index
    %swap3A_48 = arith.constant 0 : index
    %swap3A_49 = arith.constant 0 : index
    %swap3A_50 = arith.constant 0 : index
    %swap3A_51 = vector.load %arg9[%swap3A_47, %swap3A_48, %swap3A_49, %swap3A_50] : memref<2x2x512x576xbf16, #tpu.memory_space<vmem>>, vector<1x1x512x576xbf16>
    %swap3A_52 = vector.shape_cast %swap3A_51 : vector<1x1x512x576xbf16> to vector<512x576xbf16>
    %swap3A_53 = vector.shape_cast %convert_element_type3A_46 : vector<512x576xbf16> to vector<1x1x512x576xbf16>
    tpu.vector_store %arg9[%swap3A_47, %swap3A_48, %swap3A_49, %swap3A_50], %swap3A_53 {strides = array<i32>} : memref<2x2x512x576xbf16, #tpu.memory_space<vmem>>, vector<1x1x512x576xbf16>,
    %get3A_54 = arith.constant 1 : index
    %get3A_55 = arith.constant 0 : index
    %get3A_56 = arith.constant 0 : index
    %get3A_57 = vector.load %arg2[%get3A_54, %get3A_55, %get3A_56] : memref<2x512x576xbf16, #tpu.memory_space<vmem>>, vector<1x512x576xbf16>
    %get3A_58 = vector.shape_cast %get3A_57 : vector<1x512x576xbf16> to vector<512x576xbf16>
    %dot_general3A_59 = arith.constant dense<0.000000e+00> : vector<512x576xf32>
    %dot_general3A_60 = tpu.matmul %get3A_3, %get3A_58, %dot_general3A_59 {dimension_numbers = #tpu.dot_dimension_numbers<[1], [0], [0], [1], [0, 0, 1, 1], [], []>, transpose_lhs_hint = false} : vector<512x512xbf16>, vector<512x576xbf16>, vector<512x576xf32> -> vector<512x576xf32>
    %convert_element_type3A_61 = arith.truncf %dot_general3A_60 : vector<512x576xf32> to vector<512x576xbf16>
    %dot_general3A_62 = arith.constant dense<0.000000e+00> : vector<512x576xf32>
    %dot_general3A_63 = tpu.matmul %get3A_3, %convert_element_type3A_61, %dot_general3A_62 {dimension_numbers = #tpu.dot_dimension_numbers<[1], [0], [0], [1], [0, 0, 1, 1], [], []>, transpose_lhs_hint = false} : vector<512x512xbf16>, vector<512x576xbf16>, vector<512x576xf32> -> vector<512x576xf32>
    %convert_element_type3A_64 = arith.truncf %dot_general3A_63 : vector<512x576xf32> to vector<512x576xbf16>
    %get3A_65 = arith.constant 0 : index
    %get3A_66 = arith.constant 0 : index
    %get3A_67 = vector.load %arg12[%get3A_65, %get3A_66] : memref<576x576xbf16, #tpu.memory_space<vmem>>, vector<576x576xbf16>
    %dot_general3A_68 = arith.constant dense<0.000000e+00> : vector<512x576xf32>
    %dot_general3A_69 = tpu.matmul %get3A_58, %get3A_67, %dot_general3A_68 {dimension_numbers = #tpu.dot_dimension_numbers<[1], [0], [0], [1], [0, 0, 1, 1], [], []>, transpose_lhs_hint = false} : vector<512x576xbf16>, vector<576x576xbf16>, vector<512x576xf32> -> vector<512x576xf32>
    %get3A_70 = arith.constant 0 : index
    %get3A_71 = arith.constant 0 : index
    %get3A_72 = vector.load %arg13[%get3A_70, %get3A_71] : memref<576x576xbf16, #tpu.memory_space<vmem>>, vector<576x576xbf16>
    %dot_general3A_73 = arith.constant dense<0.000000e+00> : vector<512x576xf32>
    %dot_general3A_74 = tpu.matmul %convert_element_type3A_61, %get3A_72, %dot_general3A_73 {dimension_numbers = #tpu.dot_dimension_numbers<[1], [0], [0], [1], [0, 0, 1, 1], [], []>, transpose_lhs_hint = false} : vector<512x576xbf16>, vector<576x576xbf16>, vector<512x576xf32> -> vector<512x576xf32>
    %add3A_75 = arith.addf %dot_general3A_69, %dot_general3A_74 : vector<512x576xf32>
    %get3A_76 = arith.constant 0 : index
    %get3A_77 = arith.constant 0 : index
    %get3A_78 = vector.load %arg14[%get3A_76, %get3A_77] : memref<576x576xbf16, #tpu.memory_space<vmem>>, vector<576x576xbf16>
    %dot_general3A_79 = arith.constant dense<0.000000e+00> : vector<512x576xf32>
    %dot_general3A_80 = tpu.matmul %convert_element_type3A_64, %get3A_78, %dot_general3A_79 {dimension_numbers = #tpu.dot_dimension_numbers<[1], [0], [0], [1], [0, 0, 1, 1], [], []>, transpose_lhs_hint = false} : vector<512x576xbf16>, vector<576x576xbf16>, vector<512x576xf32> -> vector<512x576xf32>
    %add3A_81 = arith.addf %add3A_75, %dot_general3A_80 : vector<512x576xf32>
    %get3A_82 = arith.constant 0 : index
    %get3A_83 = arith.constant 0 : index
    %get3A_84 = vector.load %arg15[%get3A_82, %get3A_83] : memref<512x576xf32, #tpu.memory_space<vmem>>, vector<512x576xf32>
    %add3A_85 = arith.addf %add3A_81, %get3A_84 : vector<512x576xf32>
    %convert_element_type3A_86 = arith.truncf %add3A_85 : vector<512x576xf32> to vector<512x576xbf16>
    %swap3A_87 = arith.constant 0 : index
    %swap3A_88 = arith.constant 1 : index
    %swap3A_89 = arith.constant 0 : index
    %swap3A_90 = arith.constant 0 : index
    %swap3A_91 = vector.load %arg9[%swap3A_87, %swap3A_88, %swap3A_89, %swap3A_90] : memref<2x2x512x576xbf16, #tpu.memory_space<vmem>>, vector<1x1x512x576xbf16>
    %swap3A_92 = vector.shape_cast %swap3A_91 : vector<1x1x512x576xbf16> to vector<512x576xbf16>
    %swap3A_93 = vector.shape_cast %convert_element_type3A_86 : vector<512x576xbf16> to vector<1x1x512x576xbf16>
    tpu.vector_store %arg9[%swap3A_87, %swap3A_88, %swap3A_89, %swap3A_90], %swap3A_93 {strides = array<i32>} : memref<2x2x512x576xbf16, #tpu.memory_space<vmem>>, vector<1x1x512x576xbf16>,
    %get3A_94 = arith.constant 0 : index
    %get3A_95 = arith.constant 0 : index
    %get3A_96 = vector.load %arg11[%get3A_94, %get3A_95] : memref<512x512xbf16, #tpu.memory_space<vmem>>, vector<512x512xbf16>
    %dot_general3A_97 = arith.constant dense<0.000000e+00> : vector<512x576xf32>
    %dot_general3A_98 = tpu.matmul %get3A_96, %convert_element_type3A_86, %dot_general3A_97 {dimension_numbers = #tpu.dot_dimension_numbers<[1], [0], [0], [1], [0, 0, 1, 1], [], []>, transpose_lhs_hint = false} : vector<512x512xbf16>, vector<512x576xbf16>, vector<512x576xf32> -> vector<512x576xf32>
    %convert_element_type3A_99 = arith.truncf %dot_general3A_98 : vector<512x576xf32> to vector<512x576xbf16>
    %swap3A_100 = arith.constant 1 : index
    %swap3A_101 = arith.constant 1 : index
    %swap3A_102 = arith.constant 0 : index
    %swap3A_103 = arith.constant 0 : index
    %swap3A_104 = vector.load %arg9[%swap3A_100, %swap3A_101, %swap3A_102, %swap3A_103] : memref<2x2x512x576xbf16, #tpu.memory_space<vmem>>, vector<1x1x512x576xbf16>
    %swap3A_105 = vector.shape_cast %swap3A_104 : vector<1x1x512x576xbf16> to vector<512x576xbf16>
    %swap3A_106 = vector.shape_cast %convert_element_type3A_99 : vector<512x576xbf16> to vector<1x1x512x576xbf16>
    tpu.vector_store %arg9[%swap3A_100, %swap3A_101, %swap3A_102, %swap3A_103], %swap3A_106 {strides = array<i32>} : memref<2x2x512x576xbf16, #tpu.memory_space<vmem>>, vector<1x1x512x576xbf16>,
    return
  }
  func.func @transform_0(%arg0: i32) -> (i32, i32) {
    %c0_i32 = arith.constant 0 : i32
    %c0_i32_0 = arith.constant 0 : i32
    %c0_i32_1 = arith.constant 0 : i32
    return %c0_i32, %c0_i32_0 : i32, i32
  }
  func.func @transform_1(%arg0: i32) -> (i32, i32, i32) {
    %c0_i32 = arith.constant 0 : i32
    %c0_i32_0 = arith.constant 0 : i32
    %c0_i32_1 = arith.constant 0 : i32
    return %arg0, %c0_i32, %c0_i32_0 : i32, i32, i32
  }
  func.func @transform_2(%arg0: i32) -> (i32, i32) {
    %c0_i32 = arith.constant 0 : i32
    %c0_i32_0 = arith.constant 0 : i32
    %c0_i32_1 = arith.constant 0 : i32
    return %c0_i32, %c0_i32_0 : i32, i32
  }
  func.func @transform_3(%arg0: i32) -> (i32, i32) {
    %c0_i32 = arith.constant 0 : i32
    %c0_i32_0 = arith.constant 0 : i32
    %c0_i32_1 = arith.constant 0 : i32
    return %c0_i32, %c0_i32_0 : i32, i32
  }
  func.func @transform_4(%arg0: i32) -> (i32, i32) {
    %c0_i32 = arith.constant 0 : i32
    %c0_i32_0 = arith.constant 0 : i32
    %c0_i32_1 = arith.constant 0 : i32
    return %c0_i32, %c0_i32_0 : i32, i32
  }
  func.func @transform_5(%arg0: i32) -> (i32, i32) {
    %c0_i32 = arith.constant 0 : i32
    %c0_i32_0 = arith.constant 0 : i32
    %c0_i32_1 = arith.constant 0 : i32
    return %c0_i32, %c0_i32_0 : i32, i32
  }
  func.func @transform_6(%arg0: i32) -> (i32, i32) {
    %c0_i32 = arith.constant 0 : i32
    %c0_i32_0 = arith.constant 0 : i32
    %c0_i32_1 = arith.constant 0 : i32
    return %c0_i32, %c0_i32_0 : i32, i32
  }
  func.func @transform_7(%arg0: i32) -> (i32, i32) {
    %c0_i32 = arith.constant 0 : i32
    %c0_i32_0 = arith.constant 0 : i32
    %c0_i32_1 = arith.constant 0 : i32
    return %c0_i32, %c0_i32_0 : i32, i32
  }
  func.func @transform_8(%arg0: i32) -> (i32, i32, i32, i32) {
    %c0_i32 = arith.constant 0 : i32
    %c0_i32_0 = arith.constant 0 : i32
    %c0_i32_1 = arith.constant 0 : i32
    %c0_i32_2 = arith.constant 0 : i32
    return %c0_i32, %arg0, %c0_i32_0, %c0_i32_1 : i32, i32, i32, i32
  }
}

</mosaic_0001>

<sc_bundles>
// kernel: sparse-core-data-format-call.cloned.1.call-start
scs
called_computation_lowered:
.L_overlay_start_0:
0x0: {  	s2 =	sld [smem:$0x3FD9]  }
0x1: {  	s3 =	sld [smem:$0x3FFE];
	_ =	sdelay $0x1  }
0x2: {  	s1 =	srdreg.scid  }
0x3: {  	s0 =	sand.u32 $0x1, s1  }
0x4: {  	s18 =	sshll.u32 s0, $0xA;
	s2 =	sadd.s32 s3, s2  }
0x5: {  	s2 =	sadd.s32 s2, s18  }
0x6: {  	[smem:$0x3FC0] =	sst s2  }
0x7: {  	_ = 	snop  }
0x8: {  	s2 =	sld [smem:$0x3FD0];
	(tm) =	ssettm $0x1  }
0x9: {  	s19 =	sld [smem:$0x3FFB];
	_ =	sdelay $0x3  }
0xa: {  	_ =	strace s19  }
0xb: {  	s3 =	sld [smem:$0x3FFC];
	_ =	sdelay $0x3  }
0xc: {  	_ =	strace s3  }
0xd: {  	s3 =	sld [smem:$0x3FFD];
	_ =	sdelay $0x3  }
0xe: {  	_ =	strace s3  }
0xf: {  	_ =	strace $0x8FFFFFFF  }
0x10: {  	s20 =	sld [smem:$0x3FDB];
	_ =	sdelay $0x1  }
0x11: {  	s4 =	simm.s32 $_scs_section_size  }
0x12: {  	s5 =	simm.s32 $_size__tile_overlayer_lowered;
	s6 =	simm.s32 $_tile_overlayer_lowered  }
0x13: {  	s23 =	simm.s32 $0x1BFF;
	s22 =	sshll.u32 s6, $0x1;
	s3 =	sadd.s32 s4, s20  }
0x14: {  	s7 =	simm.s32 $0x0;
	s21 =	sshll.u32 s5, $0x1;
	s5 =	sadd.s32 s22, s3  }
0x15: {  	[timem:s7], [sflag:s23] =	dma.local [hbm:s5], s21  }
0x16: {  	_ =	swait.ge [sflag:s23], s21  }
0x17: {  	s4 =	ssub.s32 $0x0, s21;
	[sflag:s23] =	ssyncset.done $0x0  }
0x18: {  	[sflag:s23] =	ssyncadd.s32 s4;
	_ =	sdelay $0x1  }
0x19: {  	s24 =	simm.s32 $0x1B8B  }
0x1a: {  	_ =	swait.ge [sflag:s24], $0x1  }
0x1b: {  	[sflag:s24] =	ssyncset.done $0x0  }
0x1c: {  	s26 =	simm.s32 $0x1B8E;
	s25 =	sld [smem:$0x3FFE];
	[sflag:s24] =	ssyncadd.s32 $0xFFFFFFFF  }
0x1d: {  	s27 =	simm.s32 $execute0_lowered;
	[smem:$0x3FD2] =	sst s26  }
0x1e: {  	s5 =	sshll.u32 s27, $0x1;
	_ =	strace $0x80000046;
	[dreg:$0x1] =	wrdreg $0xFFFFFFFF  }
0x1f: {  	s28 =	simm.s32 $_size_execute0_lowered;
	s3 =	sadd.s32 s3, s5;
	[dreg:$0x0] =	wrdreg $0x0  }
0x20: {  	s5 =	sshll.u32 s28, $0x1;
	[dreg:$0x2] =	wrdreg s3  }
0x21: {  	[dreg:$0x3] =	wrdreg s5  }
0x22: {  	[dreg:$0x4] =	wrdreg $0xC0  }
0x23: {  	_ =	task [dreg:s7], $0x5FFFF  }
0x24: {  	[dreg:$0x1] =	wrdreg $0xFFFFFFFF  }
0x25: {  	[dreg:$0x0] =	wrdreg $0x60  }
0x26: {  	[dreg:$0x2] =	wrdreg s25  }
0x27: {  	[dreg:$0x3] =	wrdreg s2  }
0x28: {  	[dreg:$0x4] =	wrdreg $0x9  }
0x29: {  	_ =	task.clear_ibuf [dreg:s7], $0x5FFFF;
	_ =	strace $0x90000046  }
0x2a: {  	s29 =	simm.s32 $0x9;
	_ =	strace $0x80000048  }
0x2b: {  	_ =	swait.ge [sflag:s29], $0x1  }
0x2c: {  	[sflag:s29] =	ssyncadd.s32 $0xFFFFFFFF  }
0x2d: {  	_ =	strace $0x90000048  }
0x2e: {  	_ =	sfence  }
0x2f: {  	s30 =	sld [smem:$0x0];
	_ =	sdelay $0x2  }
0x30: {  	s31 =	sshll.u32 s1, $0xD;
	s1 =	sshrl.u32 s1, $0x2  }
0x31: {  	s3 =	sand.u32 $0x4000, s31;
	s1 =	sadd.s32 s1, s30  }
0x32: {  	s0 =	sor.u32 s3, s0;
	s1 =	sshll.u32 s1, $0x11  }
0x33: {  	s0 =	sor.u32 s1, s0  }
0x34: {  	s0 =	sadd.s32 $0x8F2B, s0  }
0x35: {  	[sflag:s0] =	ssyncadd.remote.s32 $0x1  }
0x36: {  	_ =	sfence.sel $0xFFFF  }
0x37: {  	[dreg:$0x0] =	wrdreg $0xFFFFFFFF;
	(pc) =	sbr.abs _section_cstart, $3  }
0x38: {  	[dreg:$0x1] =	wrdreg $0xFFFFFFFF  }
0x39: {  	_ =	task.clear_ibuf [dreg:s7], $0x2FFFF;
	_ =	strace $0x9FFFFFFF  }
0x3a: {  	(tm) =	ssettm $0x7FFFFFFF  }
0x3b: {  	_ =	shalt  }
tec
execute0_lowered:
.L_overlay_start_1:
0x0: {  	(tag) =	ssettag $0x1  }
0x1: {  	s4 =	rddreg [dreg:$0x0]  }
0x2: {  	s2 =	rddreg [dreg:$0x1]  }
0x3: {  	s1 =	stileid.u32;
	s0 =	rddreg [dreg:$0x2];
	_ =	strace $0x80000047  }
0x4: {  	s5 =	srdreg.scid;
	s8 =	simm.s32 $0x2;
	s16 =	simm.s32 $0x0  }
0x5: {  	p0 =	por $0x0, $0x0;
	s9 =	simm.s32 $0x1000;
	s10 =	simm.s32 $0x6000  }
0x6: {  	s17 =	simm.s32 $0x0;
	s18 =	simm.s32 $0x0;
	s19 =	simm.s32 $0x0  }
0x7: {  	s11 =	simm.s32 $0x0;
	s12 =	simm.s32 $0x0;
	s3 =	sand.u32 $0x1, s1  }
0x8: {  	s15 =	simm.s32 $0x0;
	s5 =	sshll.u32 s5, $0x4;
	s6 =	ssub.s32 $0x2, s3  }
.Ltmp0:
0x9: {  	s7 =	sshrl.u32 s6, $0x1;
	s6 =	sand.u32 $0x1, s6;
	(pc) =	sbr.rel .LBB1_1-.Ltmp0, $4  }
0xa: {  	s4 =	sadd.s32 $0x1200, s4;
	s5 =	sand.u32 $0x10, s5;
	s6 =	sadd.s32 s6, s7  }
0xb: {  	s31 =	sor.u32 s1, s5;
	s5 =	simm.s32 $0x1;
	s6 =	smul.u32 $0x48, s6  }
0xc: {  	s14 =	smov.u32 s3;
	s7 =	sshrl.u32 s31, $0x1;
	[sflag:s5] =	ssyncpa.u1 $0x0  }
0xd: {  	[sflag:s8] =	ssyncpa.u1 $0x0;
	s13 =	smov.u32 s7;
	s8 =	sor.u32 $0x1, s6  }
.LBB1_7:
0xe: {  	s20 =	sadd.s32 $0x8, s11  }
0xf: {  	s16 =	sadd.s32 $0x4, s12;
	s21 =	smov.u32 s12;
	p2 =	sgt.s32 s20, $0x17  }
0x10: {  	s21 =	smov.u32 @p2 s16  }
0x11: {  	s22 =	smov.u32 s13;
	s16 =	sadd.s32 $0x10, s13;
	p3 =	sgt.s32 s21, $0x17  }
0x12: {  	s22 =	smov.u32 @p3 s16  }
0x13: {  	s23 =	smov.u32 s14;
	s16 =	sadd.s32 $0x2, s14;
	p4 =	sgt.s32 s22, $0x3F  }
0x14: {  	p1 =	slt.u32 s15, $0x2;
	s23 =	smov.u32 @p4 s16  }
0x15: {  	s17 =	smov.u32 s12;
	s20 =	simm.s32 @p2 $0x0;
	p2 =	sgt.s32 s23, $0x1  }
0x16: {  	s24 =	simm.s32 @!p1 $0x2;
	s23 =	smov.u32 @p2 s3;
	p2 =	sne.s32 s15, s8  }
.Ltmp1:
0x17: {  	s18 =	smov.u32 s13;
	_ =	swait.ge @!p1 [sflag:s24], $0x4000;
	(pc) =	sbr.rel @!p2 .LBB1_8-.Ltmp1, $4  }
0x18: {  	s19 =	smov.u32 s14;
	[sflag:s24] =	ssyncset.done @!p1 $0x0;
	s21 =	simm.s32 @p3 $0x0  }
0x19: {  	p0 =	por !p0, !p0;
	[sflag:s24] =	ssyncadd.s32 @!p1 $0xFFFFC000;
	s12 =	smov.u32 s21  }
0x1a: {  	s22 =	smov.u32 @p4 s7;
	s16 =	smov.u32 s11;
	s11 =	smov.u32 s20  }
0x1b: {  	s13 =	smov.u32 s22;
	s15 =	sadd.s32 $0x1, s15;
	s14 =	smov.u32 s23  }
.LBB1_1:
0x1c: {  	p1 =	sge.u32 s15, s6  }
0x1d: {  	s20 =	sshll.u32 @!p1 s11, $0x9;
	s21 =	sshll.u32 @!p1 s11, $0x7  }
0x1e: {  	s20 =	sand.u32 @!p1 $0xFFFFF000, s20;
	s21 =	sand.u32 @!p1 $0x200, s21  }
0x1f: {  	s22 =	smul.u32 @!p1 $0x240000, s14;
	s20 =	sor.u32 @!p1 s21, s20  }
0x20: {  	s23 =	smul.u32 @!p1 $0x9000, s13;
	s20 =	sshrl.u32 @!p1 s20, $0x9  }
0x21: {  	s21 =	smulhi.u32 @!p1 $0xAAAAAAB, s20  }
0x22: {  	s31 =	sadd.s32 $0xFFFFFFFF, s15;
	s25 =	smul.u32 @!p1 $0x600, s12  }
0x23: {  	s24 =	sxor.u32 @!p1 $0xFFFFFFFF, s15;
	s22 =	sadd.s32 @!p1 s4, s22;
	s21 =	smul.u32 @!p1 $0x18, s21  }
0x24: {  	s24 =	sshll.u32 @!p1 s24, $0xE;
	s22 =	sadd.s32 @!p1 s23, s22;
	s23 =	sshll.u32 @!p1 s11, $0x4  }
0x25: {  	s22 =	sadd.s32 @!p1 s25, s22;
	s20 =	ssub.s32 @!p1 s20, s21;
	s21 =	sand.u32 @!p1 $0x30, s23  }
0x26: {  	s23 =	sand.u32 @!p1 $0x4000, s24;
	s20 =	sshll.u32 @!p1 s20, $0x6;
	s21 =	sadd.s32 @!p1 s21, s22  }
0x27: {  	s22 =	simm.s32 @!p1 $0x3000;
	s20 =	sadd.s32 @!p1 s20, s21;
	s21 =	simm.s32 @!p1 $0x1000  }
0x28: {  	[tilespmem:s23], [sflag:$0x1] =	stream.strided.gather @!p1 [hbm4b:s20+s21], $0x4000, s22, s21, $0x38;
	[tilespmem:$0x10000] =	vst v63  }
0x29: {  	p1 =	sge.u32 s31, s6  }
.Ltmp2:
0x2a: {  	_ = 	snop;
	(pc) =	sbr.rel @p1 .LBB1_7-.Ltmp2, $1  }
0x2b: {  	_ =	sdelay $0x3  }
0x2c: {  	s20 =	simm.s32 $0x1;
	_ =	swait.ge [sflag:s5], $0x4000;
	s23 =	sshll.u32 s15, $0xE  }
0x2d: {  	s20 =	simm.s32 @!p0 $0x0;
	[sflag:s5] =	ssyncset.done $0x0;
	s31 =	sand.u32 $0x4000, s23  }
0x2e: {  	s23 =	simm.s32 $0x0;
	s20 =	sshll.u32 s20, $0xE;
	[sflag:s5] =	ssyncadd.s32 $0xFFFFC000  }
0x2f: {  	s21 =	sor.u32 $0x440, s20;
	s22 =	sor.u32 $0x8C70, s20;
	s20 =	sor.u32 $0x8000, s31  }
.LBB1_3:
0x30: {  	v1 =	vmov s21;
	_ =	sdelay $0x3  }
0x31: {  	s24 =	simm.s32 $0xFFFFFC00  }
0x32: {  	v2 =	vld.idx.msk [tilespmem:v1+s24+$0xC30 ss:$0x1], $0xffff  }
0x33: {  	v0 =	vmov s22;
	v3 =	vld.idx.msk [tilespmem:v1+s24+$0xFFFFFFC0 ss:$0x1], $0xffff  }
0x34: {  	v4 =	vld.idx.msk [tilespmem:v1+s24+$0xFFFFFFD0 ss:$0x1], $0xffff  }
0x35: {  	v5 =	vld.idx.msk [tilespmem:v1+s24+$0xFFFFFFE0 ss:$0x1], $0xffff  }
0x36: {  	v6 =	vld.idx.msk [tilespmem:v1+s24+$0xFFFFFFF0 ss:$0x1], $0xffff  }
0x37: {  	v7 =	vld.idx.msk [tilespmem:v1+s24+$0x0 ss:$0x1], $0xffff  }
0x38: {  	v8 =	vld.idx.msk [tilespmem:v1+s24+$0x10 ss:$0x1], $0xffff;
	[tilespmem:v0+s24+$0x400 ss:$0x1] =	vst.idx.msk $0xffff, v2  }
0x39: {  	[tilespmem:v0+s24+$0xFFFFF790 ss:$0x1] =	vst.idx.msk $0xffff, v3;
	v2 =	vld.idx.msk [tilespmem:v1+s24+$0x20 ss:$0x1], $0xffff  }
0x3a: {  	[tilespmem:v0+s24+$0xFFFFF7A0 ss:$0x1] =	vst.idx.msk $0xffff, v4;
	v3 =	vld.idx.msk [tilespmem:v1+s24+$0x30 ss:$0x1], $0xffff  }
0x3b: {  	[tilespmem:v0+s24+$0xFFFFF7B0 ss:$0x1] =	vst.idx.msk $0xffff, v5;
	v4 =	vld.idx.msk [tilespmem:v1+s24+$0x3C0 ss:$0x1], $0xffff  }
0x3c: {  	[tilespmem:v0+s24+$0xFFFFF7C0 ss:$0x1] =	vst.idx.msk $0xffff, v6;
	v5 =	vld.idx.msk [tilespmem:v1+s24+$0x3D0 ss:$0x1], $0xffff  }
0x3d: {  	[tilespmem:v0+s24+$0xFFFFF7D0 ss:$0x1] =	vst.idx.msk $0xffff, v7;
	v6 =	vld.idx.msk [tilespmem:v1+s24+$0x3E0 ss:$0x1], $0xffff  }
0x3e: {  	[tilespmem:v0+s24+$0xFFFFF7E0 ss:$0x1] =	vst.idx.msk $0xffff, v8;
	v7 =	vld.idx.msk [tilespmem:v1+s24+$0x3F0 ss:$0x1], $0xffff  }
0x3f: {  	v8 =	vld.idx.msk [tilespmem:v1+s24+$0xBC0 ss:$0x1], $0xffff;
	[tilespmem:v0+s24+$0xFFFFF7F0 ss:$0x1] =	vst.idx.msk $0xffff, v2  }
0x40: {  	v2 =	vld.idx.msk [tilespmem:v1+s24+$0x400 ss:$0x1], $0xffff;
	[tilespmem:v0+s24+$0xFFFFF800 ss:$0x1] =	vst.idx.msk $0xffff, v3  }
0x41: {  	v3 =	vld.idx.msk [tilespmem:v1+s24+$0x410 ss:$0x1], $0xffff;
	[tilespmem:v0+s24+$0xFFFFFB90 ss:$0x1] =	vst.idx.msk $0xffff, v4  }
0x42: {  	v4 =	vld.idx.msk [tilespmem:v1+s24+$0x420 ss:$0x1], $0xffff;
	[tilespmem:v0+s24+$0xFFFFFBA0 ss:$0x1] =	vst.idx.msk $0xffff, v5  }
0x43: {  	v5 =	vld.idx.msk [tilespmem:v1+s24+$0x430 ss:$0x1], $0xffff;
	[tilespmem:v0+s24+$0xFFFFFBB0 ss:$0x1] =	vst.idx.msk $0xffff, v6  }
0x44: {  	v6 =	vld.idx.msk [tilespmem:v1+s24+$0x7C0 ss:$0x1], $0xffff;
	[tilespmem:v0+s24+$0xFFFFFBC0 ss:$0x1] =	vst.idx.msk $0xffff, v7  }
0x45: {  	v7 =	vld.idx.msk [tilespmem:v1+s24+$0x7D0 ss:$0x1], $0xffff;
	[tilespmem:v0+s24+$0x390 ss:$0x1] =	vst.idx.msk $0xffff, v8  }
0x46: {  	[tilespmem:v0+s24+$0xFFFFFBD0 ss:$0x1] =	vst.idx.msk $0xffff, v2;
	v2 =	vld.idx.msk [tilespmem:v1+s24+$0x7E0 ss:$0x1], $0xffff  }
0x47: {  	[tilespmem:v0+s24+$0xFFFFFBE0 ss:$0x1] =	vst.idx.msk $0xffff, v3;
	v3 =	vld.idx.msk [tilespmem:v1+s24+$0x7F0 ss:$0x1], $0xffff  }
0x48: {  	[tilespmem:v0+s24+$0xFFFFFBF0 ss:$0x1] =	vst.idx.msk $0xffff, v4;
	v4 =	vld.idx.msk [tilespmem:v1+s24+$0x800 ss:$0x1], $0xffff  }
0x49: {  	[tilespmem:v0+s24+$0xFFFFFC00 ss:$0x1] =	vst.idx.msk $0xffff, v5;
	v5 =	vld.idx.msk [tilespmem:v1+s24+$0x810 ss:$0x1], $0xffff  }
0x4a: {  	[tilespmem:v0+s24+$0xFFFFFF90 ss:$0x1] =	vst.idx.msk $0xffff, v6;
	v6 =	vld.idx.msk [tilespmem:v1+s24+$0x820 ss:$0x1], $0xffff  }
0x4b: {  	[tilespmem:v0+s24+$0xFFFFFFA0 ss:$0x1] =	vst.idx.msk $0xffff, v7;
	v7 =	vld.idx.msk [tilespmem:v1+s24+$0x830 ss:$0x1], $0xffff  }
0x4c: {  	[tilespmem:v0+s24+$0xFFFFFFB0 ss:$0x1] =	vst.idx.msk $0xffff, v2;
	v2 =	vld.idx.msk [tilespmem:v1+s24+$0xBD0 ss:$0x1], $0xffff  }
0x4d: {  	[tilespmem:v0+s24+$0xFFFFFFC0 ss:$0x1] =	vst.idx.msk $0xffff, v3;
	v3 =	vld.idx.msk [tilespmem:v1+s24+$0xBE0 ss:$0x1], $0xffff  }
0x4e: {  	[tilespmem:v0+s24+$0xFFFFFFD0 ss:$0x1] =	vst.idx.msk $0xffff, v4;
	v4 =	vld.idx.msk [tilespmem:v1+s24+$0xBF0 ss:$0x1], $0xffff  }
0x4f: {  	[tilespmem:v0+s24+$0xFFFFFFE0 ss:$0x1] =	vst.idx.msk $0xffff, v5;
	v5 =	vld.idx.msk [tilespmem:v1+s24+$0xC00 ss:$0x1], $0xffff  }
0x50: {  	[tilespmem:v0+s24+$0xFFFFFFF0 ss:$0x1] =	vst.idx.msk $0xffff, v6;
	v6 =	vld.idx.msk [tilespmem:v1+s24+$0xC10 ss:$0x1], $0xffff  }
0x51: {  	s26 =	simm.s32 $0xFFFFFC80;
	s25 =	simm.s32 $0xFFFFF400;
	[tilespmem:v0+s24+$0x0 ss:$0x1] =	vst.idx.msk $0xffff, v7;
	v7 =	vld.idx.msk [tilespmem:v1+s24+$0xC20 ss:$0x1], $0xffff  }
.LBB1_4:
0x52: {  	p1 =	sne.s32 s25, $0xFFFFFE00;
	v8 =	vld.idx.msk [tilespmem:v1+s26+$0xC30 ss:$0x1], $0xffff;
	[tilespmem:v0+s24+$0x3A0 ss:$0x1] =	vst.idx.msk $0xffff, v2  }
0x53: {  	v2 =	vld.idx.msk [tilespmem:v1+s26+$0xFFFFFFC0 ss:$0x1], $0xffff;
	[tilespmem:v0+s24+$0x3B0 ss:$0x1] =	vst.idx.msk $0xffff, v3  }
0x54: {  	v3 =	vld.idx.msk [tilespmem:v1+s26+$0xFFFFFFD0 ss:$0x1], $0xffff;
	[tilespmem:v0+s24+$0x3C0 ss:$0x1] =	vst.idx.msk $0xffff, v4  }
0x55: {  	v4 =	vld.idx.msk [tilespmem:v1+s26+$0xFFFFFFE0 ss:$0x1], $0xffff;
	[tilespmem:v0+s24+$0x3D0 ss:$0x1] =	vst.idx.msk $0xffff, v5  }
0x56: {  	v5 =	vld.idx.msk [tilespmem:v1+s26+$0xFFFFFFF0 ss:$0x1], $0xffff;
	[tilespmem:v0+s24+$0x3E0 ss:$0x1] =	vst.idx.msk $0xffff, v6  }
0x57: {  	v6 =	vld.idx.msk [tilespmem:v1+s26+$0x0 ss:$0x1], $0xffff;
	[tilespmem:v0+s24+$0x3F0 ss:$0x1] =	vst.idx.msk $0xffff, v7;
	s24 =	smov.u32 s26  }
0x58: {  	v7 =	vld.idx.msk [tilespmem:v1+s24+$0x10 ss:$0x1], $0xffff;
	[tilespmem:v0+s24+$0x400 ss:$0x1] =	vst.idx.msk $0xffff, v8  }
0x59: {  	[tilespmem:v0+s24+$0xFFFFF790 ss:$0x1] =	vst.idx.msk $0xffff, v2;
	v2 =	vld.idx.msk [tilespmem:v1+s24+$0x20 ss:$0x1], $0xffff  }
0x5a: {  	[tilespmem:v0+s24+$0xFFFFF7A0 ss:$0x1] =	vst.idx.msk $0xffff, v3;
	v3 =	vld.idx.msk [tilespmem:v1+s24+$0x30 ss:$0x1], $0xffff  }
0x5b: {  	[tilespmem:v0+s24+$0xFFFFF7B0 ss:$0x1] =	vst.idx.msk $0xffff, v4;
	v4 =	vld.idx.msk [tilespmem:v1+s24+$0x3C0 ss:$0x1], $0xffff  }
0x5c: {  	[tilespmem:v0+s24+$0xFFFFF7C0 ss:$0x1] =	vst.idx.msk $0xffff, v5;
	v5 =	vld.idx.msk [tilespmem:v1+s24+$0x3D0 ss:$0x1], $0xffff  }
0x5d: {  	[tilespmem:v0+s24+$0xFFFFF7D0 ss:$0x1] =	vst.idx.msk $0xffff, v6;
	v6 =	vld.idx.msk [tilespmem:v1+s24+$0x3E0 ss:$0x1], $0xffff  }
0x5e: {  	[tilespmem:v0+s24+$0xFFFFF7E0 ss:$0x1] =	vst.idx.msk $0xffff, v7;
	v7 =	vld.idx.msk [tilespmem:v1+s24+$0x3F0 ss:$0x1], $0xffff  }
0x5f: {  	[tilespmem:v0+s24+$0xFFFFF7F0 ss:$0x1] =	vst.idx.msk $0xffff, v2;
	v2 =	vld.idx.msk [tilespmem:v1+s24+$0x400 ss:$0x1], $0xffff  }
0x60: {  	[tilespmem:v0+s24+$0xFFFFF800 ss:$0x1] =	vst.idx.msk $0xffff, v3;
	v3 =	vld.idx.msk [tilespmem:v1+s24+$0x410 ss:$0x1], $0xffff  }
0x61: {  	[tilespmem:v0+s24+$0xFFFFFB90 ss:$0x1] =	vst.idx.msk $0xffff, v4;
	v4 =	vld.idx.msk [tilespmem:v1+s24+$0x420 ss:$0x1], $0xffff  }
0x62: {  	[tilespmem:v0+s24+$0xFFFFFBA0 ss:$0x1] =	vst.idx.msk $0xffff, v5;
	v5 =	vld.idx.msk [tilespmem:v1+s24+$0x430 ss:$0x1], $0xffff  }
0x63: {  	[tilespmem:v0+s24+$0xFFFFFBB0 ss:$0x1] =	vst.idx.msk $0xffff, v6;
	v6 =	vld.idx.msk [tilespmem:v1+s24+$0x7C0 ss:$0x1], $0xffff  }
0x64: {  	[tilespmem:v0+s24+$0xFFFFFBC0 ss:$0x1] =	vst.idx.msk $0xffff, v7;
	v7 =	vld.idx.msk [tilespmem:v1+s24+$0x7D0 ss:$0x1], $0xffff  }
0x65: {  	[tilespmem:v0+s24+$0xFFFFFBD0 ss:$0x1] =	vst.idx.msk $0xffff, v2;
	v2 =	vld.idx.msk [tilespmem:v1+s24+$0x7E0 ss:$0x1], $0xffff  }
0x66: {  	[tilespmem:v0+s24+$0xFFFFFBE0 ss:$0x1] =	vst.idx.msk $0xffff, v3;
	v3 =	vld.idx.msk [tilespmem:v1+s24+$0x7F0 ss:$0x1], $0xffff  }
0x67: {  	[tilespmem:v0+s24+$0xFFFFFBF0 ss:$0x1] =	vst.idx.msk $0xffff, v4;
	v4 =	vld.idx.msk [tilespmem:v1+s24+$0x800 ss:$0x1], $0xffff  }
0x68: {  	[tilespmem:v0+s24+$0xFFFFFC00 ss:$0x1] =	vst.idx.msk $0xffff, v5;
	v5 =	vld.idx.msk [tilespmem:v1+s24+$0x810 ss:$0x1], $0xffff  }
0x69: {  	[tilespmem:v0+s24+$0xFFFFFF90 ss:$0x1] =	vst.idx.msk $0xffff, v6;
	v6 =	vld.idx.msk [tilespmem:v1+s24+$0x820 ss:$0x1], $0xffff  }
0x6a: {  	[tilespmem:v0+s24+$0xFFFFFFA0 ss:$0x1] =	vst.idx.msk $0xffff, v7;
	v7 =	vld.idx.msk [tilespmem:v1+s24+$0x830 ss:$0x1], $0xffff  }
0x6b: {  	[tilespmem:v0+s24+$0xFFFFFFB0 ss:$0x1] =	vst.idx.msk $0xffff, v2;
	v8 =	vld.idx.msk [tilespmem:v1+s24+$0xBC0 ss:$0x1], $0xffff  }
0x6c: {  	[tilespmem:v0+s24+$0xFFFFFFC0 ss:$0x1] =	vst.idx.msk $0xffff, v3;
	v2 =	vld.idx.msk [tilespmem:v1+s24+$0xBD0 ss:$0x1], $0xffff  }
.Ltmp3:
0x6d: {  	[tilespmem:v0+s24+$0xFFFFFFD0 ss:$0x1] =	vst.idx.msk $0xffff, v4;
	v3 =	vld.idx.msk [tilespmem:v1+s24+$0xBE0 ss:$0x1], $0xffff;
	(pc) =	sbr.rel @p1 .LBB1_4-.Ltmp3, $4  }
0x6e: {  	[tilespmem:v0+s24+$0xFFFFFFE0 ss:$0x1] =	vst.idx.msk $0xffff, v5;
	v4 =	vld.idx.msk [tilespmem:v1+s24+$0xBF0 ss:$0x1], $0xffff  }
0x6f: {  	[tilespmem:v0+s24+$0xFFFFFFF0 ss:$0x1] =	vst.idx.msk $0xffff, v6;
	v5 =	vld.idx.msk [tilespmem:v1+s24+$0xC00 ss:$0x1], $0xffff  }
0x70: {  	[tilespmem:v0+s24+$0x0 ss:$0x1] =	vst.idx.msk $0xffff, v7;
	v6 =	vld.idx.msk [tilespmem:v1+s24+$0xC10 ss:$0x1], $0xffff  }
0x71: {  	s26 =	sshra.s32 s25, $0x2;
	s25 =	sadd.s32 $0x200, s25;
	[tilespmem:v0+s24+$0x390 ss:$0x1] =	vst.idx.msk $0xffff, v8;
	v7 =	vld.idx.msk [tilespmem:v1+s24+$0xC20 ss:$0x1], $0xffff  }
0x72: {  	_ =	sdelay $0x3  }
0x73: {  	[tilespmem:v0+s24+$0x3A0 ss:$0x1] =	vst.idx.msk $0xffff, v2  }
0x74: {  	v32 =	vld.idx.msk [tilespmem:v1+s26+$0xC30 ss:$0x1], $0xffff;
	[tilespmem:v0+s24+$0x3B0 ss:$0x1] =	vst.idx.msk $0xffff, v3  }
0x75: {  	v33 =	vld.idx.msk [tilespmem:v1+s26+$0xFFFFFFC0 ss:$0x1], $0xffff;
	[tilespmem:v0+s24+$0x3C0 ss:$0x1] =	vst.idx.msk $0xffff, v4  }
0x76: {  	v34 =	vld.idx.msk [tilespmem:v1+s26+$0xFFFFFFD0 ss:$0x1], $0xffff;
	[tilespmem:v0+s24+$0x3D0 ss:$0x1] =	vst.idx.msk $0xffff, v5  }
0x77: {  	v35 =	vld.idx.msk [tilespmem:v1+s26+$0xFFFFFFE0 ss:$0x1], $0xffff;
	[tilespmem:v0+s24+$0x3E0 ss:$0x1] =	vst.idx.msk $0xffff, v6  }
0x78: {  	v36 =	vld.idx.msk [tilespmem:v1+s26+$0xFFFFFFF0 ss:$0x1], $0xffff;
	[tilespmem:v0+s24+$0x3F0 ss:$0x1] =	vst.idx.msk $0xffff, v7  }
0x79: {  	v37 =	vld.idx.msk [tilespmem:v1+s26+$0x0 ss:$0x1], $0xffff;
	[tilespmem:v0+s26+$0x400 ss:$0x1] =	vst.idx.msk $0xffff, v32  }
0x7a: {  	v38 =	vld.idx.msk [tilespmem:v1+s26+$0x10 ss:$0x1], $0xffff;
	[tilespmem:v0+s26+$0xFFFFF790 ss:$0x1] =	vst.idx.msk $0xffff, v33  }
0x7b: {  	v39 =	vld.idx.msk [tilespmem:v1+s26+$0x20 ss:$0x1], $0xffff;
	[tilespmem:v0+s26+$0xFFFFF7A0 ss:$0x1] =	vst.idx.msk $0xffff, v34  }
0x7c: {  	v40 =	vld.idx.msk [tilespmem:v1+s26+$0x30 ss:$0x1], $0xffff;
	[tilespmem:v0+s26+$0xFFFFF7B0 ss:$0x1] =	vst.idx.msk $0xffff, v35  }
0x7d: {  	v41 =	vld.idx.msk [tilespmem:v1+s26+$0x3C0 ss:$0x1], $0xffff;
	[tilespmem:v0+s26+$0xFFFFF7C0 ss:$0x1] =	vst.idx.msk $0xffff, v36  }
0x7e: {  	v42 =	vld.idx.msk [tilespmem:v1+s26+$0x3D0 ss:$0x1], $0xffff;
	[tilespmem:v0+s26+$0xFFFFF7D0 ss:$0x1] =	vst.idx.msk $0xffff, v37  }
0x7f: {  	v43 =	vld.idx.msk [tilespmem:v1+s26+$0x3E0 ss:$0x1], $0xffff;
	[tilespmem:v0+s26+$0xFFFFF7E0 ss:$0x1] =	vst.idx.msk $0xffff, v38  }
0x80: {  	v44 =	vld.idx.msk [tilespmem:v1+s26+$0x3F0 ss:$0x1], $0xffff;
	[tilespmem:v0+s26+$0xFFFFF7F0 ss:$0x1] =	vst.idx.msk $0xffff, v39  }
0x81: {  	v45 =	vld.idx.msk [tilespmem:v1+s26+$0x400 ss:$0x1], $0xffff;
	[tilespmem:v0+s26+$0xFFFFF800 ss:$0x1] =	vst.idx.msk $0xffff, v40  }
0x82: {  	v46 =	vld.idx.msk [tilespmem:v1+s26+$0x410 ss:$0x1], $0xffff;
	[tilespmem:v0+s26+$0xFFFFFB90 ss:$0x1] =	vst.idx.msk $0xffff, v41  }
0x83: {  	v47 =	vld.idx.msk [tilespmem:v1+s26+$0x420 ss:$0x1], $0xffff;
	[tilespmem:v0+s26+$0xFFFFFBA0 ss:$0x1] =	vst.idx.msk $0xffff, v42  }
0x84: {  	v48 =	vld.idx.msk [tilespmem:v1+s26+$0x430 ss:$0x1], $0xffff;
	[tilespmem:v0+s26+$0xFFFFFBB0 ss:$0x1] =	vst.idx.msk $0xffff, v43  }
0x85: {  	v49 =	vld.idx.msk [tilespmem:v1+s26+$0x7C0 ss:$0x1], $0xffff;
	[tilespmem:v0+s26+$0xFFFFFBC0 ss:$0x1] =	vst.idx.msk $0xffff, v44  }
0x86: {  	v50 =	vld.idx.msk [tilespmem:v1+s26+$0x7D0 ss:$0x1], $0xffff;
	[tilespmem:v0+s26+$0xFFFFFBD0 ss:$0x1] =	vst.idx.msk $0xffff, v45  }
0x87: {  	v51 =	vld.idx.msk [tilespmem:v1+s26+$0x7E0 ss:$0x1], $0xffff;
	[tilespmem:v0+s26+$0xFFFFFBE0 ss:$0x1] =	vst.idx.msk $0xffff, v46  }
0x88: {  	v52 =	vld.idx.msk [tilespmem:v1+s26+$0x7F0 ss:$0x1], $0xffff;
	[tilespmem:v0+s26+$0xFFFFFBF0 ss:$0x1] =	vst.idx.msk $0xffff, v47  }
0x89: {  	v53 =	vld.idx.msk [tilespmem:v1+s26+$0x800 ss:$0x1], $0xffff;
	[tilespmem:v0+s26+$0xFFFFFC00 ss:$0x1] =	vst.idx.msk $0xffff, v48  }
0x8a: {  	v54 =	vld.idx.msk [tilespmem:v1+s26+$0x810 ss:$0x1], $0xffff;
	[tilespmem:v0+s26+$0xFFFFFF90 ss:$0x1] =	vst.idx.msk $0xffff, v49  }
0x8b: {  	v55 =	vld.idx.msk [tilespmem:v1+s26+$0x820 ss:$0x1], $0xffff;
	[tilespmem:v0+s26+$0xFFFFFFA0 ss:$0x1] =	vst.idx.msk $0xffff, v50  }
0x8c: {  	v56 =	vld.idx.msk [tilespmem:v1+s26+$0x830 ss:$0x1], $0xffff;
	[tilespmem:v0+s26+$0xFFFFFFB0 ss:$0x1] =	vst.idx.msk $0xffff, v51  }
0x8d: {  	v57 =	vld.idx.msk [tilespmem:v1+s26+$0xBC0 ss:$0x1], $0xffff;
	[tilespmem:v0+s26+$0xFFFFFFC0 ss:$0x1] =	vst.idx.msk $0xffff, v52  }
0x8e: {  	v58 =	vld.idx.msk [tilespmem:v1+s26+$0xBD0 ss:$0x1], $0xffff;
	[tilespmem:v0+s26+$0xFFFFFFD0 ss:$0x1] =	vst.idx.msk $0xffff, v53  }
0x8f: {  	v59 =	vld.idx.msk [tilespmem:v1+s26+$0xBE0 ss:$0x1], $0xffff;
	[tilespmem:v0+s26+$0xFFFFFFE0 ss:$0x1] =	vst.idx.msk $0xffff, v54  }
0x90: {  	v60 =	vld.idx.msk [tilespmem:v1+s26+$0xBF0 ss:$0x1], $0xffff;
	[tilespmem:v0+s26+$0xFFFFFFF0 ss:$0x1] =	vst.idx.msk $0xffff, v55  }
0x91: {  	v61 =	vld.idx.msk [tilespmem:v1+s26+$0xC00 ss:$0x1], $0xffff;
	[tilespmem:v0+s26+$0x0 ss:$0x1] =	vst.idx.msk $0xffff, v56  }
0x92: {  	v62 =	vld.idx.msk [tilespmem:v1+s26+$0xC10 ss:$0x1], $0xffff;
	s23 =	sadd.s32 $0x1, s23;
	[tilespmem:v0+s26+$0x390 ss:$0x1] =	vst.idx.msk $0xffff, v57  }
0x93: {  	v63 =	vld.idx.msk [tilespmem:v1+s26+$0xC20 ss:$0x1], $0xffff;
	p1 =	sne.s32 s23, $0x4;
	[tilespmem:v0+s26+$0x3A0 ss:$0x1] =	vst.idx.msk $0xffff, v58  }
.Ltmp4:
0x94: {  	[tilespmem:v0+s26+$0x3B0 ss:$0x1] =	vst.idx.msk $0xffff, v59;
	(pc) =	sbr.rel @p1 .LBB1_3-.Ltmp4, $4  }
0x95: {  	[tilespmem:v0+s26+$0x3C0 ss:$0x1] =	vst.idx.msk $0xffff, v60  }
0x96: {  	[tilespmem:v0+s26+$0x3D0 ss:$0x1] =	vst.idx.msk $0xffff, v61  }
0x97: {  	[tilespmem:v0+s26+$0x3E0 ss:$0x1] =	vst.idx.msk $0xffff, v62  }
0x98: {  	s21 =	sadd.s32 $0x1000, s21;
	s22 =	sadd.s32 $0x1000, s22;
	[tilespmem:v0+s26+$0x3F0 ss:$0x1] =	vst.idx.msk $0xffff, v63  }
0x99: {  	s21 =	sshll.u32 s16, $0x9;
	s22 =	sshll.u32 s16, $0x7  }
0x9a: {  	s21 =	sand.u32 $0xFFFFF000, s21;
	s22 =	sand.u32 $0x200, s22  }
0x9b: {  	s19 =	smul.u32 $0x600, s19;
	s21 =	sor.u32 s22, s21  }
0x9c: {  	s18 =	smul.u32 $0x12000, s18;
	s21 =	sshrl.u32 s21, $0x9  }
0x9d: {  	s28 =	smulhi.u32 $0xAAAAAAB, s21  }
0x9e: {  	s17 =	smul.u32 $0xC00, s17  }
0x9f: {  	s19 =	sadd.s32 s2, s19;
	s22 =	smul.u32 $0x18, s28  }
.Ltmp5:
0xa0: {  	s29 =	sshll.u32 s16, $0x4;
	s18 =	sadd.s32 s18, s19;
	(pc) =	sbr.rel .LBB1_7-.Ltmp5, $4  }
0xa1: {  	s16 =	sand.u32 $0x30, s29;
	s17 =	sadd.s32 s17, s18;
	s30 =	ssub.s32 s21, s22  }
0xa2: {  	s16 =	sadd.s32 s16, s17;
	s31 =	sshll.u32 s30, $0x6  }
0xa3: {  	s16 =	sadd.s32 s31, s16  }
0xa4: {  	[hbm4b:s16+s9] =	stream.strided.scatter [tilespmem:s20], [sflag:$0x2], $0x4000, s10, s9, $0x38;
	[tilespmem:$0x10000] =	vst v63  }
.LBB1_8:
0xa5: {  	_ =	sfence.sel $0x180000  }
0xa6: {  	s2 =	simm.s32 $0x1;
	[bflag:$0x0] =	sbarrier.arrive $0xFFFF  }
0xa7: {  	s31 =	simm.s32 $0x2;
	[sflag:s2] =	ssyncpa.u1 $0x1  }
0xa8: {  	[sflag:s31] =	ssyncpa.u1 $0x1  }
0xa9: {  	p0 =	sne.s32 s1, $0x0;
	_ =	strace $0x90000047  }
0xaa: {  	s0 =	sadd.s32 @!p0 $0x100000, s0;
	[bflag:$0x2] =	sbarrier.arrive $0xFFFF  }
0xab: {  	[sflag:s0] =	ssyncadd.tile.s32 @!p0 $0x1;
	_ =	shalt  }
.Lfunc_end1:
_tile_overlayer_lowered:
.L_overlay_start_2:
0xac: {  	(tag) =	ssettag $0x2  }
0xad: {  	s0 =	rddreg [dreg:$0x0];
	s2 =	stileid.u32  }
0xae: {  	s1 =	rddreg [dreg:$0x1];
	p0 =	sne.s32 s2, $0x0  }
0xaf: {  	s3 =	rddreg [dreg:$0x2];
	[bflag:$0x3] =	sbarrier.arrive $0xFFFF;
	s2 =	simm.s32 @!p0 $0x1C01  }
0xb0: {  	[timem:s3], [sflag:s2] =	dma.local @!p0 [hbm:s0], s1  }
0xb1: {  	s0 =	simm.s32 @!p0 $0x1  }
0xb2: {  	_ =	swait.ge @!p0 [sflag:s0], s1  }
0xb3: {  	s1 =	ssub.s32 @!p0 $0x0, s1;
	[sflag:s0] =	ssyncset.done @!p0 $0x0  }
0xb4: {  	[sflag:s0] =	ssyncadd.s32 @!p0 s1  }
0xb5: {  	[bflag:$0x3] =	sbarrier.arrive $0xFFFF  }
0xb6: {  	_ =	shalt  }

</sc_bundles>
